<compile_context>
chip_gen: v7x
topology: tpu7x:2x2x1
jax: 0.10.2.dev20260603
libtpu: 0.0.44.dev20260713+nightly
codegen_flags: <defaults>
</compile_context>

<pallas_src>
import functools

import jax
import jax.numpy as jnp
from jax import lax
from jax.experimental import pallas as pl
from jax.experimental.pallas import tpu as pltpu
from jax.experimental.pallas import tpu_sc as plsc

_ROWS = 16384
_NOUT = 8
_W = 32
_NSC = 4
_NTC = _NOUT - _NSC
_NC = 2
_NS = 16
_NW = _NC * _NS
_CC = _ROWS // _NW
_TR = 2048



def _sc_copy_body(xt_hbm, *rest):
    outs = rest[:_NSC]
    bufs = rest[_NSC:_NSC + 2]
    isems = rest[_NSC + 2:_NSC + 4]
    osems = rest[_NSC + 4:]
    wid = lax.axis_index("s") * _NC + lax.axis_index("c")
    c0 = wid * _CC

    def in_cp(i, b):
        return pltpu.make_async_copy(
            xt_hbm.at[pl.ds((_NTC + i) * _W, _W), pl.ds(c0, _CC)],
            bufs[b], isems[b])

    def out_cp(i, b):
        return pltpu.make_async_copy(
            bufs[b], outs[i].at[:, pl.ds(c0, _CC)], osems[b])

    in_cp(0, 0).start()
    for i in range(_NSC):
        b = i % 2
        if i + 1 < _NSC:
            if i >= 1:
                out_cp(i - 1, 1 - b).wait()
            in_cp(i + 1, 1 - b).start()
        in_cp(i, b).wait()
        out_cp(i, b).start()
    out_cp(_NSC - 2, (_NSC - 2) % 2).wait()
    out_cp(_NSC - 1, (_NSC - 1) % 2).wait()


def _sc_split_t(xt):
    mesh = plsc.VectorSubcoreMesh(core_axis_name="c", subcore_axis_name="s")
    out_type = tuple(
        jax.ShapeDtypeStruct((_W, _ROWS), jnp.float32) for _ in range(_NSC))
    scratch = (
        [pltpu.VMEM((_W, _CC), jnp.float32) for _ in range(2)]
        + [pltpu.SemaphoreType.DMA for _ in range(4)])
    return pl.kernel(
        _sc_copy_body,
        out_type=out_type,
        mesh=mesh,
        scratch_types=scratch,
    )(xt)



def _tc_body(x_ref, *out_refs):
    xt = x_ref[...].T
    for i in range(_NTC):
        out_refs[i][...] = xt[i * _W:(i + 1) * _W, :]


def _tc_split(x):
    x = pltpu.with_memory_space_constraint(x, pltpu.MemorySpace.HBM)
    grid = (_ROWS // _TR,)
    return pl.pallas_call(
        _tc_body,
        grid=grid,
        in_specs=[pl.BlockSpec((_TR, 128), lambda j: (j, 0))],
        out_specs=[
            pl.BlockSpec((_W, _TR), lambda j: (0, j)) for _ in range(_NTC)],
        out_shape=tuple(
            jax.ShapeDtypeStruct((_W, _ROWS), jnp.float32)
            for _ in range(_NTC)),
    )(x)


@jax.jit
def kernel(x):
    tc_outs = _tc_split(x)
    sc_outs = _sc_split_t(x.T)
    return tuple(o.T for o in tc_outs) + tuple(o.T for o in sc_outs)

# --- scband reference (transcript-rebuilt; emitter-appended) ---
"""Pipeline reference for scband-local-layer-33208687132819 (READ-ONLY COPY).

The authoritative reference and input builder live on the scoring server;
editing this copy changes nothing except your own understanding.
"""

import jax, jax.numpy as jnp
import numpy as np

PARAMETER_MAP = [list(range(i * 32, (i + 1) * 32)) for i in range(8)]


def setup_inputs(seed: int = 0) -> dict:
    key = jax.random.key(seed)
    x = jax.random.normal(key, (16384, 256), dtype=jnp.float32)
    return {"x": x}


def reference(x):
    # Faithful translation of LocalLayer.forward: [x[..., params] for params in parameter_map]
    idx_arrays = [jnp.asarray(p, dtype=jnp.int32) for p in PARAMETER_MAP]
    return tuple(jnp.take(x, idx, axis=-1) for idx in idx_arrays)

if __name__ == "__main__":
    import jax
    _d = setup_inputs()
    print(jax.jit(kernel)(*tuple(_d.values())))

</pallas_src>

<mosaic_0001>
#map = affine_map<(d0, d1) -> (0, 0)>
module attributes {stable_mosaic.version = 14 : i64} {
  func.func @_sc_copy_body(%arg0: i32, %arg1: i32, %arg2: memref<256x16384xf32, #tpu.memory_space<hbm>>, %arg3: memref<32x16384xf32, #tpu.memory_space<hbm>>, %arg4: memref<32x16384xf32, #tpu.memory_space<hbm>>, %arg5: memref<32x16384xf32, #tpu.memory_space<hbm>>, %arg6: memref<32x16384xf32, #tpu.memory_space<hbm>>, %arg7: memref<32x512xf32, #tpu.memory_space<vmem>>, %arg8: memref<32x512xf32, #tpu.memory_space<vmem>>, %arg9: memref<!tpu.dma_semaphore, #tpu.memory_space<semaphore_mem>>, %arg10: memref<!tpu.dma_semaphore, #tpu.memory_space<semaphore_mem>>, %arg11: memref<!tpu.dma_semaphore, #tpu.memory_space<semaphore_mem>>, %arg12: memref<!tpu.dma_semaphore, #tpu.memory_space<semaphore_mem>>) attributes {dimension_semantics = [#tpu.dimension_semantics<core_parallel>, #tpu.dimension_semantics<subcore_parallel>], iteration_bounds = array<i64: 2, 16>, scalar_prefetch = 0 : i64, scratch_operands = 6 : i64, tpu.core_type = #tpu.core_type<sc_vector_subcore>, window_params = [{transform_indices = #map}, {transform_indices = #map}, {transform_indices = #map}, {transform_indices = #map}, {transform_indices = #map}]} {
    %mul3A = arith.constant 2 : i32
    %mul3A_0 = arith.muli %arg1, %mul3A : i32
    %add3A = arith.addi %mul3A_0, %arg0 : i32
    %mul3A_1 = arith.constant 512 : i32
    %mul3A_2 = arith.muli %add3A, %mul3A_1 : i32
    %dma_start3A = arith.constant 128 : i32
    %dma_start3A_3 = tpu.memref_slice %arg2[%dma_start3A, %mul3A_2] : memref<256x16384xf32, #tpu.memory_space<hbm>> -> memref<32x512xf32, #tpu.memory_space<hbm>>
    %dma_start3A_4 = arith.constant 128 : i32
    %dma_start3A_5 = tpu.memref_slice %arg2[%dma_start3A_4, %mul3A_2] : memref<256x16384xf32, #tpu.memory_space<hbm>> -> memref<32x512xf32, #tpu.memory_space<hbm>>
    tpu.enqueue_dma source(%dma_start3A_5 : memref<32x512xf32, #tpu.memory_space<hbm>>) target(%arg7 : memref<32x512xf32, #tpu.memory_space<vmem>>) target_semaphore(%arg9 : memref<!tpu.dma_semaphore, #tpu.memory_space<semaphore_mem>>)
    %dma_start3A_6 = arith.constant 160 : i32
    %dma_start3A_7 = tpu.memref_slice %arg2[%dma_start3A_6, %mul3A_2] : memref<256x16384xf32, #tpu.memory_space<hbm>> -> memref<32x512xf32, #tpu.memory_space<hbm>>
    %dma_start3A_8 = arith.constant 160 : i32
    %dma_start3A_9 = tpu.memref_slice %arg2[%dma_start3A_8, %mul3A_2] : memref<256x16384xf32, #tpu.memory_space<hbm>> -> memref<32x512xf32, #tpu.memory_space<hbm>>
    tpu.enqueue_dma source(%dma_start3A_9 : memref<32x512xf32, #tpu.memory_space<hbm>>) target(%arg8 : memref<32x512xf32, #tpu.memory_space<vmem>>) target_semaphore(%arg10 : memref<!tpu.dma_semaphore, #tpu.memory_space<semaphore_mem>>)
    %dma_wait3A = arith.constant 128 : i32
    %dma_wait3A_10 = tpu.memref_slice %arg2[%dma_wait3A, %mul3A_2] : memref<256x16384xf32, #tpu.memory_space<hbm>> -> memref<32x512xf32, #tpu.memory_space<hbm>>
    %dma_wait3A_11 = arith.constant 128 : i32
    %dma_wait3A_12 = tpu.memref_slice %arg2[%dma_wait3A_11, %mul3A_2] : memref<256x16384xf32, #tpu.memory_space<hbm>> -> memref<32x512xf32, #tpu.memory_space<hbm>>
    tpu.wait_dma2 semaphore(%arg9 : memref<!tpu.dma_semaphore, #tpu.memory_space<semaphore_mem>>) src(%dma_wait3A_12 : memref<32x512xf32, #tpu.memory_space<hbm>>) dst(%arg7 : memref<32x512xf32, #tpu.memory_space<vmem>>)
    %dma_start3A_13 = arith.constant 0 : i32
    %dma_start3A_14 = tpu.memref_slice %arg3[%dma_start3A_13, %mul3A_2] : memref<32x16384xf32, #tpu.memory_space<hbm>> -> memref<32x512xf32, #tpu.memory_space<hbm>>
    %dma_start3A_15 = arith.constant 0 : i32
    %dma_start3A_16 = tpu.memref_slice %arg3[%dma_start3A_15, %mul3A_2] : memref<32x16384xf32, #tpu.memory_space<hbm>> -> memref<32x512xf32, #tpu.memory_space<hbm>>
    tpu.enqueue_dma source(%arg7 : memref<32x512xf32, #tpu.memory_space<vmem>>) target(%dma_start3A_16 : memref<32x512xf32, #tpu.memory_space<hbm>>) target_semaphore(%arg11 : memref<!tpu.dma_semaphore, #tpu.memory_space<semaphore_mem>>)
    %dma_wait3A_17 = arith.constant 0 : i32
    %dma_wait3A_18 = tpu.memref_slice %arg3[%dma_wait3A_17, %mul3A_2] : memref<32x16384xf32, #tpu.memory_space<hbm>> -> memref<32x512xf32, #tpu.memory_space<hbm>>
    %dma_wait3A_19 = arith.constant 0 : i32
    %dma_wait3A_20 = tpu.memref_slice %arg3[%dma_wait3A_19, %mul3A_2] : memref<32x16384xf32, #tpu.memory_space<hbm>> -> memref<32x512xf32, #tpu.memory_space<hbm>>
    tpu.wait_dma2 semaphore(%arg11 : memref<!tpu.dma_semaphore, #tpu.memory_space<semaphore_mem>>) src(%arg7 : memref<32x512xf32, #tpu.memory_space<vmem>>) dst(%dma_wait3A_20 : memref<32x512xf32, #tpu.memory_space<hbm>>)
    %dma_start3A_21 = arith.constant 192 : i32
    %dma_start3A_22 = tpu.memref_slice %arg2[%dma_start3A_21, %mul3A_2] : memref<256x16384xf32, #tpu.memory_space<hbm>> -> memref<32x512xf32, #tpu.memory_space<hbm>>
    %dma_start3A_23 = arith.constant 192 : i32
    %dma_start3A_24 = tpu.memref_slice %arg2[%dma_start3A_23, %mul3A_2] : memref<256x16384xf32, #tpu.memory_space<hbm>> -> memref<32x512xf32, #tpu.memory_space<hbm>>
    tpu.enqueue_dma source(%dma_start3A_24 : memref<32x512xf32, #tpu.memory_space<hbm>>) target(%arg7 : memref<32x512xf32, #tpu.memory_space<vmem>>) target_semaphore(%arg9 : memref<!tpu.dma_semaphore, #tpu.memory_space<semaphore_mem>>)
    %dma_wait3A_25 = arith.constant 160 : i32
    %dma_wait3A_26 = tpu.memref_slice %arg2[%dma_wait3A_25, %mul3A_2] : memref<256x16384xf32, #tpu.memory_space<hbm>> -> memref<32x512xf32, #tpu.memory_space<hbm>>
    %dma_wait3A_27 = arith.constant 160 : i32
    %dma_wait3A_28 = tpu.memref_slice %arg2[%dma_wait3A_27, %mul3A_2] : memref<256x16384xf32, #tpu.memory_space<hbm>> -> memref<32x512xf32, #tpu.memory_space<hbm>>
    tpu.wait_dma2 semaphore(%arg10 : memref<!tpu.dma_semaphore, #tpu.memory_space<semaphore_mem>>) src(%dma_wait3A_28 : memref<32x512xf32, #tpu.memory_space<hbm>>) dst(%arg8 : memref<32x512xf32, #tpu.memory_space<vmem>>)
    %dma_start3A_29 = arith.constant 0 : i32
    %dma_start3A_30 = tpu.memref_slice %arg4[%dma_start3A_29, %mul3A_2] : memref<32x16384xf32, #tpu.memory_space<hbm>> -> memref<32x512xf32, #tpu.memory_space<hbm>>
    %dma_start3A_31 = arith.constant 0 : i32
    %dma_start3A_32 = tpu.memref_slice %arg4[%dma_start3A_31, %mul3A_2] : memref<32x16384xf32, #tpu.memory_space<hbm>> -> memref<32x512xf32, #tpu.memory_space<hbm>>
    tpu.enqueue_dma source(%arg8 : memref<32x512xf32, #tpu.memory_space<vmem>>) target(%dma_start3A_32 : memref<32x512xf32, #tpu.memory_space<hbm>>) target_semaphore(%arg12 : memref<!tpu.dma_semaphore, #tpu.memory_space<semaphore_mem>>)
    %dma_wait3A_33 = arith.constant 0 : i32
    %dma_wait3A_34 = tpu.memref_slice %arg4[%dma_wait3A_33, %mul3A_2] : memref<32x16384xf32, #tpu.memory_space<hbm>> -> memref<32x512xf32, #tpu.memory_space<hbm>>
    %dma_wait3A_35 = arith.constant 0 : i32
    %dma_wait3A_36 = tpu.memref_slice %arg4[%dma_wait3A_35, %mul3A_2] : memref<32x16384xf32, #tpu.memory_space<hbm>> -> memref<32x512xf32, #tpu.memory_space<hbm>>
    tpu.wait_dma2 semaphore(%arg12 : memref<!tpu.dma_semaphore, #tpu.memory_space<semaphore_mem>>) src(%arg8 : memref<32x512xf32, #tpu.memory_space<vmem>>) dst(%dma_wait3A_36 : memref<32x512xf32, #tpu.memory_space<hbm>>)
    %dma_start3A_37 = arith.constant 224 : i32
    %dma_start3A_38 = tpu.memref_slice %arg2[%dma_start3A_37, %mul3A_2] : memref<256x16384xf32, #tpu.memory_space<hbm>> -> memref<32x512xf32, #tpu.memory_space<hbm>>
    %dma_start3A_39 = arith.constant 224 : i32
    %dma_start3A_40 = tpu.memref_slice %arg2[%dma_start3A_39, %mul3A_2] : memref<256x16384xf32, #tpu.memory_space<hbm>> -> memref<32x512xf32, #tpu.memory_space<hbm>>
    tpu.enqueue_dma source(%dma_start3A_40 : memref<32x512xf32, #tpu.memory_space<hbm>>) target(%arg8 : memref<32x512xf32, #tpu.memory_space<vmem>>) target_semaphore(%arg10 : memref<!tpu.dma_semaphore, #tpu.memory_space<semaphore_mem>>)
    %dma_wait3A_41 = arith.constant 192 : i32
    %dma_wait3A_42 = tpu.memref_slice %arg2[%dma_wait3A_41, %mul3A_2] : memref<256x16384xf32, #tpu.memory_space<hbm>> -> memref<32x512xf32, #tpu.memory_space<hbm>>
    %dma_wait3A_43 = arith.constant 192 : i32
    %dma_wait3A_44 = tpu.memref_slice %arg2[%dma_wait3A_43, %mul3A_2] : memref<256x16384xf32, #tpu.memory_space<hbm>> -> memref<32x512xf32, #tpu.memory_space<hbm>>
    tpu.wait_dma2 semaphore(%arg9 : memref<!tpu.dma_semaphore, #tpu.memory_space<semaphore_mem>>) src(%dma_wait3A_44 : memref<32x512xf32, #tpu.memory_space<hbm>>) dst(%arg7 : memref<32x512xf32, #tpu.memory_space<vmem>>)
    %dma_start3A_45 = arith.constant 0 : i32
    %dma_start3A_46 = tpu.memref_slice %arg5[%dma_start3A_45, %mul3A_2] : memref<32x16384xf32, #tpu.memory_space<hbm>> -> memref<32x512xf32, #tpu.memory_space<hbm>>
    %dma_start3A_47 = arith.constant 0 : i32
    %dma_start3A_48 = tpu.memref_slice %arg5[%dma_start3A_47, %mul3A_2] : memref<32x16384xf32, #tpu.memory_space<hbm>> -> memref<32x512xf32, #tpu.memory_space<hbm>>
    tpu.enqueue_dma source(%arg7 : memref<32x512xf32, #tpu.memory_space<vmem>>) target(%dma_start3A_48 : memref<32x512xf32, #tpu.memory_space<hbm>>) target_semaphore(%arg11 : memref<!tpu.dma_semaphore, #tpu.memory_space<semaphore_mem>>)
    %dma_wait3A_49 = arith.constant 224 : i32
    %dma_wait3A_50 = tpu.memref_slice %arg2[%dma_wait3A_49, %mul3A_2] : memref<256x16384xf32, #tpu.memory_space<hbm>> -> memref<32x512xf32, #tpu.memory_space<hbm>>
    %dma_wait3A_51 = arith.constant 224 : i32
    %dma_wait3A_52 = tpu.memref_slice %arg2[%dma_wait3A_51, %mul3A_2] : memref<256x16384xf32, #tpu.memory_space<hbm>> -> memref<32x512xf32, #tpu.memory_space<hbm>>
    tpu.wait_dma2 semaphore(%arg10 : memref<!tpu.dma_semaphore, #tpu.memory_space<semaphore_mem>>) src(%dma_wait3A_52 : memref<32x512xf32, #tpu.memory_space<hbm>>) dst(%arg8 : memref<32x512xf32, #tpu.memory_space<vmem>>)
    %dma_start3A_53 = arith.constant 0 : i32
    %dma_start3A_54 = tpu.memref_slice %arg6[%dma_start3A_53, %mul3A_2] : memref<32x16384xf32, #tpu.memory_space<hbm>> -> memref<32x512xf32, #tpu.memory_space<hbm>>
    %dma_start3A_55 = arith.constant 0 : i32
    %dma_start3A_56 = tpu.memref_slice %arg6[%dma_start3A_55, %mul3A_2] : memref<32x16384xf32, #tpu.memory_space<hbm>> -> memref<32x512xf32, #tpu.memory_space<hbm>>
    tpu.enqueue_dma source(%arg8 : memref<32x512xf32, #tpu.memory_space<vmem>>) target(%dma_start3A_56 : memref<32x512xf32, #tpu.memory_space<hbm>>) target_semaphore(%arg12 : memref<!tpu.dma_semaphore, #tpu.memory_space<semaphore_mem>>)
    %dma_wait3A_57 = arith.constant 0 : i32
    %dma_wait3A_58 = tpu.memref_slice %arg5[%dma_wait3A_57, %mul3A_2] : memref<32x16384xf32, #tpu.memory_space<hbm>> -> memref<32x512xf32, #tpu.memory_space<hbm>>
    %dma_wait3A_59 = arith.constant 0 : i32
    %dma_wait3A_60 = tpu.memref_slice %arg5[%dma_wait3A_59, %mul3A_2] : memref<32x16384xf32, #tpu.memory_space<hbm>> -> memref<32x512xf32, #tpu.memory_space<hbm>>
    tpu.wait_dma2 semaphore(%arg11 : memref<!tpu.dma_semaphore, #tpu.memory_space<semaphore_mem>>) src(%arg7 : memref<32x512xf32, #tpu.memory_space<vmem>>) dst(%dma_wait3A_60 : memref<32x512xf32, #tpu.memory_space<hbm>>)
    %dma_wait3A_61 = arith.constant 0 : i32
    %dma_wait3A_62 = tpu.memref_slice %arg6[%dma_wait3A_61, %mul3A_2] : memref<32x16384xf32, #tpu.memory_space<hbm>> -> memref<32x512xf32, #tpu.memory_space<hbm>>
    %dma_wait3A_63 = arith.constant 0 : i32
    %dma_wait3A_64 = tpu.memref_slice %arg6[%dma_wait3A_63, %mul3A_2] : memref<32x16384xf32, #tpu.memory_space<hbm>> -> memref<32x512xf32, #tpu.memory_space<hbm>>
    tpu.wait_dma2 semaphore(%arg12 : memref<!tpu.dma_semaphore, #tpu.memory_space<semaphore_mem>>) src(%arg8 : memref<32x512xf32, #tpu.memory_space<vmem>>) dst(%dma_wait3A_64 : memref<32x512xf32, #tpu.memory_space<hbm>>)
    return
  }
}

module attributes {stable_mosaic.version = 14 : i64} {
  func.func @_tc_body(%arg0: i32, %arg1: memref<2048x128xf32, #tpu.memory_space<vmem>>, %arg2: memref<32x2048xf32, #tpu.memory_space<vmem>>, %arg3: memref<32x2048xf32, #tpu.memory_space<vmem>>, %arg4: memref<32x2048xf32, #tpu.memory_space<vmem>>, %arg5: memref<32x2048xf32, #tpu.memory_space<vmem>>) attributes {dimension_semantics = [#tpu.dimension_semantics<arbitrary>], iteration_bounds = array<i64: 8>, scalar_prefetch = 0 : i64, scratch_operands = 0 : i64, tpu.core_type = #tpu.core_type<tc>, window_params = [{transform_indices = @transform_0, window_bounds = array<i64: 2048, 128>}, {transform_indices = @transform_1, window_bounds = array<i64: 32, 2048>}, {transform_indices = @transform_2, window_bounds = array<i64: 32, 2048>}, {transform_indices = @transform_3, window_bounds = array<i64: 32, 2048>}, {transform_indices = @transform_4, window_bounds = array<i64: 32, 2048>}]} {
    %get3A = arith.constant 0 : index
    %get3A_0 = arith.constant 0 : index
    %get3A_1 = vector.load %arg1[%get3A, %get3A_0] : memref<2048x128xf32, #tpu.memory_space<vmem>>, vector<2048x128xf32>
    %transpose3A = tpu.transpose %get3A_1, [1, 0] : vector<2048x128xf32> -> vector<128x2048xf32>
    %slice3A = vector.extract_strided_slice %transpose3A {offsets = [0, 0], sizes = [32, 2048], strides = [1, 1]} : vector<128x2048xf32> to vector<32x2048xf32>
    %swap3A = arith.constant 0 : index
    %swap3A_2 = arith.constant 0 : index
    %swap3A_3 = vector.load %arg2[%swap3A, %swap3A_2] : memref<32x2048xf32, #tpu.memory_space<vmem>>, vector<32x2048xf32>
    tpu.vector_store %arg2[%swap3A, %swap3A_2], %slice3A {strides = array<i32>} : memref<32x2048xf32, #tpu.memory_space<vmem>>, vector<32x2048xf32>,
    %slice3A_4 = vector.extract_strided_slice %transpose3A {offsets = [32, 0], sizes = [32, 2048], strides = [1, 1]} : vector<128x2048xf32> to vector<32x2048xf32>
    %swap3A_5 = arith.constant 0 : index
    %swap3A_6 = arith.constant 0 : index
    %swap3A_7 = vector.load %arg3[%swap3A_5, %swap3A_6] : memref<32x2048xf32, #tpu.memory_space<vmem>>, vector<32x2048xf32>
    tpu.vector_store %arg3[%swap3A_5, %swap3A_6], %slice3A_4 {strides = array<i32>} : memref<32x2048xf32, #tpu.memory_space<vmem>>, vector<32x2048xf32>,
    %slice3A_8 = vector.extract_strided_slice %transpose3A {offsets = [64, 0], sizes = [32, 2048], strides = [1, 1]} : vector<128x2048xf32> to vector<32x2048xf32>
    %swap3A_9 = arith.constant 0 : index
    %swap3A_10 = arith.constant 0 : index
    %swap3A_11 = vector.load %arg4[%swap3A_9, %swap3A_10] : memref<32x2048xf32, #tpu.memory_space<vmem>>, vector<32x2048xf32>
    tpu.vector_store %arg4[%swap3A_9, %swap3A_10], %slice3A_8 {strides = array<i32>} : memref<32x2048xf32, #tpu.memory_space<vmem>>, vector<32x2048xf32>,
    %slice3A_12 = vector.extract_strided_slice %transpose3A {offsets = [96, 0], sizes = [32, 2048], strides = [1, 1]} : vector<128x2048xf32> to vector<32x2048xf32>
    %swap3A_13 = arith.constant 0 : index
    %swap3A_14 = arith.constant 0 : index
    %swap3A_15 = vector.load %arg5[%swap3A_13, %swap3A_14] : memref<32x2048xf32, #tpu.memory_space<vmem>>, vector<32x2048xf32>
    tpu.vector_store %arg5[%swap3A_13, %swap3A_14], %slice3A_12 {strides = array<i32>} : memref<32x2048xf32, #tpu.memory_space<vmem>>, vector<32x2048xf32>,
    return
  }
  func.func @transform_0(%arg0: i32) -> (i32, i32) {
    %c0_i32 = arith.constant 0 : i32
    %c0_i32_0 = arith.constant 0 : i32
    return %arg0, %c0_i32 : i32, i32
  }
  func.func @transform_1(%arg0: i32) -> (i32, i32) {
    %c0_i32 = arith.constant 0 : i32
    %c0_i32_0 = arith.constant 0 : i32
    return %c0_i32, %arg0 : i32, i32
  }
  func.func @transform_2(%arg0: i32) -> (i32, i32) {
    %c0_i32 = arith.constant 0 : i32
    %c0_i32_0 = arith.constant 0 : i32
    return %c0_i32, %arg0 : i32, i32
  }
  func.func @transform_3(%arg0: i32) -> (i32, i32) {
    %c0_i32 = arith.constant 0 : i32
    %c0_i32_0 = arith.constant 0 : i32
    return %c0_i32, %arg0 : i32, i32
  }
  func.func @transform_4(%arg0: i32) -> (i32, i32) {
    %c0_i32 = arith.constant 0 : i32
    %c0_i32_0 = arith.constant 0 : i32
    return %c0_i32, %arg0 : i32, i32
  }
}

</mosaic_0001>

<sc_bundles>
// kernel: kernel.4.cloned.1.call-start
scs
__scs_entry_jumppad:
0x0: {  	(pc) =	sbr.rel $0x88, $3  }
0x1: {  	(tag) =	ssettag $0x0;
	lr =	simm.s32 $0x1  }
0x2: {  	[smem:$0x3FA0] =	sst lr;
	_ =	strace $0xD0000000  }
0x3: {  	_ = 	snop  }
0x4: {  	_ = 	snop  }
0x5: {  	_ = 	snop  }
0x6: {  	_ = 	snop  }
0x7: {  	_ = 	snop  }
__scs_overlays_trampoline_lowered:
0x8: {  	[smem:$0x3FAF] =	sst s0  }
0x9: {  	[smem:$0x3FB0] =	sst s1  }
0xa: {  	[smem:$0x3FB1] =	sst s2  }
0xb: {  	[smem:$0x3FB2] =	sst s3  }
0xc: {  	[smem:$0x3FB3] =	sst s4  }
0xd: {  	[smem:$0x3FB4] =	sst s5  }
0xe: {  	[smem:$0x3FB5] =	sst s6  }
0xf: {  	[smem:$0x3FB6] =	sst s7  }
0x10: {  	[smem:$0x3FB7] =	sst s8  }
0x11: {  	[smem:$0x3FB8] =	sst s9;
	s0 =	simm.s32 @!p0 $0x0  }
0x12: {  	s1 =	sld [smem:$0x3F9E];
	s0 =	simm.s32 @p0 $0x1  }
0x13: {  	[smem:$0x3FB9] =	sst s0;
	s0 =	simm.s32 @!p1 $0x0  }
0x14: {  	s2 =	sld [smem:$0x3F9D];
	s0 =	simm.s32 @p1 $0x1  }
0x15: {  	[smem:$0x3FBA] =	sst s0;
	s0 =	simm.s32 @!p2 $0x0  }
0x16: {  	s3 =	sld [smem:$0x3FDB];
	s0 =	simm.s32 @p2 $0x1  }
0x17: {  	s4 =	simm.s32 $0x1BF5;
	[smem:$0x3FBC] =	sst s0  }
0x18: {  	s0 =	sld [smem:$0x3F9F];
	_ =	swait.ge [sflag:s4], $0x0  }
0x19: {  	s7 =	sld [smem:$0x3FA0]  }
0x1a: {  	s8 =	sadd.s32 $0xFFFFE003, lr  }
0x1b: {  	s9 =	sadd.s32 $0xFFFFFEF7, lr;
	s5 =	simm.s32 $0xFFFFFFFF;
	p2 =	slt.u32 s8, $0xFFFFF086  }
0x1c: {  	p1 =	slt.u32 s9, $0xF7A;
	s5 =	simm.s32 @!p2 $0x0  }
0x1d: {  	s5 =	simm.s32 @p1 $0x1;
	p0 =	seq.s32 s7, s2  }
0x1e: {  	s7 =	smul.u32 @!p0 $0xF7A, s2;
	p2 =	seq.s32 @!p0 s5, $0x0  }
0x1f: {  	s9 =	smul.u32 $0xF7A, s1;
	s8 =	simm.s32 @!p0 $0x1BF5;
	p2 =	por !p2, p0  }
0x20: {  	[sflag:s8] =	ssyncset.s32 @!p0 $0xFFFFF086;
	s6 =	sadd.s32 @!p0 s3, s7;
	s7 =	simm.s32 @!p0 $0x108  }
0x21: {  	s3 =	sadd.s32 s3, s9;
	s6 =	sadd.s32 @!p0 $0x88, s6;
	s7 =	simm.s32 @p2 $0x1082  }
0x22: {  	[simem:s7], [sflag:s8] =	dma.local @!p0 [hbm:s6], $0xF7A  }
0x23: {  	s9 =	sor.u32 $0xD0000000, s2;
	s6 =	simm.s32 $0x108;
	_ =	swait.ge @!p0 [sflag:s8], $0x0  }
0x24: {  	s3 =	sadd.s32 $0x88, s3;
	s6 =	simm.s32 @!p1 $0x1082;
	[sflag:s4] =	ssyncset.s32 $0xFFFFF086  }
0x25: {  	[simem:s6], [sflag:s4] =	dma.local [hbm:s3], $0xF7A  }
0x26: {  	[smem:$0x3FA0] =	sst s1;
	(tag) =	ssettag s2;
	_ =	strace s9  }
0x27: {  	s1 =	sld [smem:$0x3FB0]  }
0x28: {  	s2 =	sld [smem:$0x3FB1]  }
0x29: {  	s4 =	sld [smem:$0x3FB3]  }
0x2a: {  	p0 =	seq.s32 s5, $0x0;
	s5 =	sld [smem:$0x3FB4]  }
0x2b: {  	s6 =	sld [smem:$0x3FB5]  }
0x2c: {  	s7 =	sld [smem:$0x3FB6]  }
0x2d: {  	s3 =	simm.s32 $0x108;
	s8 =	sld [smem:$0x3FB7]  }
0x2e: {  	s3 =	simm.s32 @!p0 $0x1082;
	s9 =	sld [smem:$0x3FB8]  }
0x2f: {  	lr =	sadd.s32 s0, s3;
	s0 =	sld [smem:$0x3FAF]  }
0x30: {  	s3 =	sld [smem:$0x3FB2]  }
0x31: {  	[smem:$0x3FBB] =	sst s10  }
0x32: {  	s10 =	sld [smem:$0x3FB9];
	_ =	sdelay $0x3  }
0x33: {  	p0 =	seq.s32 s10, $0x1;
	s10 =	sld [smem:$0x3FBB];
	_ =	sdelay $0x3  }
0x34: {  	[smem:$0x3FBB] =	sst s10  }
0x35: {  	s10 =	sld [smem:$0x3FBA];
	_ =	sdelay $0x3  }
0x36: {  	p1 =	seq.s32 s10, $0x1;
	s10 =	sld [smem:$0x3FBB];
	_ =	sdelay $0x3  }
0x37: {  	[smem:$0x3FBB] =	sst s10  }
0x38: {  	s10 =	sld [smem:$0x3FBC]  }
0x39: {  	_ = 	snop;
	(pc) =	sbr.ind lr, $3  }
0x3a: {  	_ = 	snop  }
0x3b: {  	_ = 	snop  }
0x3c: {  	p2 =	seq.s32 s10, $0x1;
	s10 =	sld [smem:$0x3FBB]  }
0x3d: {  	_ =	shalt  }
0x3e: {  	_ =	shalt  }
0x3f: {  	_ =	shalt  }
0x40: {  	_ =	shalt  }
0x41: {  	_ =	shalt  }
0x42: {  	_ =	shalt  }
0x43: {  	_ =	shalt  }
0x44: {  	_ =	shalt  }
0x45: {  	_ =	shalt  }
0x46: {  	_ =	shalt  }
0x47: {  	_ =	shalt  }
0x48: {  	_ =	shalt  }
0x49: {  	_ =	shalt  }
0x4a: {  	_ =	shalt  }
0x4b: {  	_ =	shalt  }
0x4c: {  	_ =	shalt  }
0x4d: {  	_ =	shalt  }
0x4e: {  	_ =	shalt  }
0x4f: {  	_ =	shalt  }
0x50: {  	_ =	shalt  }
0x51: {  	_ =	shalt  }
0x52: {  	_ =	shalt  }
0x53: {  	_ =	shalt  }
0x54: {  	_ =	shalt  }
0x55: {  	_ =	shalt  }
0x56: {  	_ =	shalt  }
0x57: {  	_ =	shalt  }
0x58: {  	_ =	shalt  }
0x59: {  	_ =	shalt  }
0x5a: {  	_ =	shalt  }
0x5b: {  	_ =	shalt  }
0x5c: {  	_ =	shalt  }
0x5d: {  	_ =	shalt  }
0x5e: {  	_ =	shalt  }
0x5f: {  	_ =	shalt  }
0x60: {  	_ =	shalt  }
0x61: {  	_ =	shalt  }
0x62: {  	_ =	shalt  }
0x63: {  	_ =	shalt  }
0x64: {  	_ =	shalt  }
0x65: {  	_ =	shalt  }
0x66: {  	_ =	shalt  }
0x67: {  	_ =	shalt  }
0x68: {  	_ =	shalt  }
0x69: {  	_ =	shalt  }
0x6a: {  	_ =	shalt  }
0x6b: {  	_ =	shalt  }
0x6c: {  	_ =	shalt  }
0x6d: {  	_ =	shalt  }
0x6e: {  	_ =	shalt  }
0x6f: {  	_ =	shalt  }
0x70: {  	_ =	shalt  }
0x71: {  	_ =	shalt  }
0x72: {  	_ =	shalt  }
0x73: {  	_ =	shalt  }
0x74: {  	_ =	shalt  }
0x75: {  	_ =	shalt  }
0x76: {  	_ =	shalt  }
0x77: {  	_ =	shalt  }
0x78: {  	_ =	shalt  }
0x79: {  	_ =	shalt  }
0x7a: {  	_ =	shalt  }
0x7b: {  	_ =	shalt  }
0x7c: {  	_ =	shalt  }
0x7d: {  	_ =	shalt  }
0x7e: {  	_ =	shalt  }
0x7f: {  	_ =	shalt  }
0x80: {  	_ =	shalt  }
0x81: {  	_ =	shalt  }
0x82: {  	_ =	shalt  }
0x83: {  	_ =	shalt  }
0x84: {  	_ =	shalt  }
0x85: {  	_ =	shalt  }
0x86: {  	_ =	shalt  }
0x87: {  	_ =	shalt  }
.Lfunc_end0:
.L_simem_size_0:
called_computation_lowered:
.L_overlay_start_0:
0x88: {  	s2 =	sld [smem:$0x3FD9]  }
0x89: {  	s3 =	sld [smem:$0x3FFE];
	_ =	sdelay $0x1  }
0x8a: {  	s1 =	srdreg.scid  }
0x8b: {  	s0 =	sand.u32 $0x1, s1  }
0x8c: {  	s14 =	sshll.u32 s0, $0xA;
	s2 =	sadd.s32 s3, s2  }
0x8d: {  	s2 =	sadd.s32 s2, s14  }
0x8e: {  	[smem:$0x3FC7] =	sst s2  }
0x8f: {  	_ = 	snop  }
0x90: {  	s2 =	sld [smem:$0x3FD0];
	_ =	sdelay $0x2  }
0x91: {  	s15 =	simm.s32 $0xA;
	s4 =	simm.s32 $0x10  }
0x92: {  	[smem:s4], [sflag:s15] =	dma.local [hbm:s2], $0x1  }
0x93: {  	_ =	swait.eq [sflag:s15], $0x1  }
0x94: {  	s16 =	sld [smem:$0x14]  }
0x95: {  	s17 =	sld [smem:$0x15];
	[sflag:s15] =	ssyncset.done $0x0  }
0x96: {  	s5 =	sld [smem:$0x16];
	[sflag:s15] =	ssyncadd.s32 $0xFFFFFFFF  }
0x97: {  	s18 =	sld [smem:$0x17];
	(tm) =	ssettm $0x1  }
0x98: {  	s6 =	sld [smem:$0x3FFB];
	_ =	sdelay $0x3  }
0x99: {  	_ =	strace s6  }
0x9a: {  	s6 =	sld [smem:$0x3FFC];
	_ =	sdelay $0x3  }
0x9b: {  	_ =	strace s6  }
0x9c: {  	s6 =	sld [smem:$0x3FFD];
	_ =	sdelay $0x3  }
0x9d: {  	_ =	strace s6  }
0x9e: {  	_ =	strace $0x8FFFFFFF  }
0x9f: {  	s19 =	sld [smem:$0x3FDB];
	_ =	sdelay $0x1  }
0xa0: {  	s7 =	simm.s32 $_scs_section_size  }
0xa1: {  	s8 =	simm.s32 $_size__tile_overlayer_lowered;
	s9 =	simm.s32 $_tile_overlayer_lowered  }
0xa2: {  	s22 =	simm.s32 $0x1BFF;
	s21 =	sshll.u32 s9, $0x1;
	s6 =	sadd.s32 s7, s19  }
0xa3: {  	s10 =	simm.s32 $0x0;
	s20 =	sshll.u32 s8, $0x1;
	s8 =	sadd.s32 s21, s6  }
0xa4: {  	[timem:s10], [sflag:s22] =	dma.local [hbm:s8], s20  }
0xa5: {  	_ =	swait.ge [sflag:s22], s20  }
0xa6: {  	s7 =	ssub.s32 $0x0, s20;
	[sflag:s22] =	ssyncset.done $0x0  }
0xa7: {  	[sflag:s22] =	ssyncadd.s32 s7;
	_ =	sdelay $0x1  }
0xa8: {  	s23 =	simm.s32 $0x1B8B  }
0xa9: {  	_ =	swait.ge [sflag:s23], $0x1  }
0xaa: {  	[sflag:s23] =	ssyncset.done $0x0  }
0xab: {  	s25 =	simm.s32 $0x1B8E;
	s24 =	sld [smem:$0x3FFE];
	[sflag:s23] =	ssyncadd.s32 $0xFFFFFFFF  }
0xac: {  	s26 =	simm.s32 $execute0_lowered;
	[smem:$0x3FD2] =	sst s25  }
0xad: {  	s8 =	sshll.u32 s26, $0x1;
	_ =	strace $0x80000046;
	[dreg:$0x1] =	wrdreg $0xFFFFFFFF  }
0xae: {  	s28 =	simm.s32 $_size_execute0_lowered;
	s6 =	sadd.s32 s6, s8;
	[dreg:$0x0] =	wrdreg $0x0  }
0xaf: {  	s8 =	sshll.u32 s28, $0x1;
	[dreg:$0x2] =	wrdreg s6  }
0xb0: {  	[dreg:$0x3] =	wrdreg s8  }
0xb1: {  	[dreg:$0x4] =	wrdreg $0xC0  }
0xb2: {  	_ =	task [dreg:s10], $0x5FFFF  }
0xb3: {  	[dreg:$0x1] =	wrdreg $0xFFFFFFFF  }
0xb4: {  	[dreg:$0x0] =	wrdreg $0x60  }
0xb5: {  	[dreg:$0x2] =	wrdreg s24  }
0xb6: {  	[dreg:$0x3] =	wrdreg s16  }
0xb7: {  	[dreg:$0x4] =	wrdreg s17  }
0xb8: {  	[dreg:$0x5] =	wrdreg s5  }
0xb9: {  	[dreg:$0x6] =	wrdreg s18  }
0xba: {  	[dreg:$0x7] =	wrdreg $0x9  }
0xbb: {  	_ =	task.clear_ibuf [dreg:s10], $0x8FFFF;
	_ =	strace $0x90000046  }
0xbc: {  	s29 =	simm.s32 $0x9;
	_ =	strace $0x80000048  }
0xbd: {  	_ =	swait.ge [sflag:s29], $0x1  }
0xbe: {  	[sflag:s29] =	ssyncadd.s32 $0xFFFFFFFF  }
0xbf: {  	_ =	strace $0x90000048  }
0xc0: {  	_ =	sfence  }
0xc1: {  	s30 =	sld [smem:$0x0];
	_ =	sdelay $0x2  }
0xc2: {  	s31 =	sshll.u32 s1, $0xD;
	s1 =	sshrl.u32 s1, $0x2  }
0xc3: {  	s3 =	sand.u32 $0x4000, s31;
	s1 =	sadd.s32 s1, s30  }
0xc4: {  	s0 =	sor.u32 s3, s0;
	s1 =	sshll.u32 s1, $0x11  }
0xc5: {  	s0 =	sor.u32 s1, s0  }
0xc6: {  	s0 =	sadd.s32 $0x8F2B, s0  }
0xc7: {  	[sflag:s0] =	ssyncadd.remote.s32 $0x1  }
0xc8: {  	_ =	sfence.sel $0xFFFF  }
0xc9: {  	[dreg:$0x0] =	wrdreg $0xFFFFFFFF;
	(pc) =	sbr.abs _section_cstart, $3  }
0xca: {  	[dreg:$0x1] =	wrdreg $0xFFFFFFFF  }
0xcb: {  	_ =	task.clear_ibuf [dreg:s10], $0x2FFFF;
	_ =	strace $0x9FFFFFFF  }
0xcc: {  	(tm) =	ssettm $0x7FFFFFFF  }
0xcd: {  	_ =	shalt  }
tec
execute0_lowered:
.L_overlay_start_1:
0x0: {  	(tag) =	ssettag $0x1  }
0x1: {  	s3 =	rddreg [dreg:$0x0]  }
0x2: {  	s9 =	rddreg [dreg:$0x1]  }
0x3: {  	s13 =	rddreg [dreg:$0x2]  }
0x4: {  	s16 =	rddreg [dreg:$0x3];
	s2 =	srdreg.scid  }
0x5: {  	s17 =	rddreg [dreg:$0x4];
	s1 =	stileid.u32;
	s18 =	sand.u32 $0x1, s2  }
0x6: {  	s2 =	simm.s32 $0x0;
	s4 =	sshll.u32 s1, $0xA;
	s5 =	sshll.u32 s18, $0x9  }
0x7: {  	[smem:$0x7FF] =	sst s2;
	s19 =	sor.u32 s5, s4  }
0x8: {  	s0 =	rddreg [dreg:$0x5];
	_ =	strace $0x80000047;
	s15 =	sadd.s32 s19, s3  }
0x9: {  	s4 =	simm.s32 $0x1000;
	s5 =	simm.s32 $0x20000;
	s3 =	sadd.s32 $0x40A00, s15  }
0xa: {  	[tilespmem:s2], [sflag:$0x1] =	stream.strided.gather [hbm4b:s3+s4], $0x4000, s5, s4, $0x38;
	[tilespmem:$0x8000] =	vst v63  }
0xb: {  	s7 =	simm.s32 $0x4000;
	s8 =	simm.s32 $0x1;
	s6 =	sadd.s32 $0x50A00, s15  }
0xc: {  	[tilespmem:s7], [sflag:$0x2] =	stream.strided.gather [hbm4b:s6+s4], $0x4000, s5, s4, $0x38;
	[tilespmem:$0x8000] =	vst v63  }
0xd: {  	_ =	swait.ge [sflag:s8], $0x4000  }
0xe: {  	[sflag:s8] =	ssyncset.done $0x0  }
0xf: {  	s10 =	simm.s32 $0x3;
	s9 =	sadd.s32 s9, s19;
	[sflag:s8] =	ssyncadd.s32 $0xFFFFC000  }
0x10: {  	[hbm4b:s9+s4] =	stream.strided.scatter [tilespmem:s2], [sflag:$0x3], $0x4000, s5, s4, $0x38;
	[tilespmem:$0x8000] =	vst v63  }
0x11: {  	_ =	swait.ge [sflag:s10], $0x4000  }
0x12: {  	[sflag:s10] =	ssyncset.done $0x0  }
0x13: {  	s12 =	simm.s32 $0x2;
	s11 =	sadd.s32 $0x60A00, s15;
	[sflag:s10] =	ssyncadd.s32 $0xFFFFC000  }
0x14: {  	[tilespmem:s2], [sflag:$0x1] =	stream.strided.gather [hbm4b:s11+s4], $0x4000, s5, s4, $0x38;
	[tilespmem:$0x8000] =	vst v63  }
0x15: {  	_ =	swait.ge [sflag:s12], $0x4000  }
0x16: {  	[sflag:s12] =	ssyncset.done $0x0  }
0x17: {  	s14 =	sadd.s32 s13, s19;
	s13 =	simm.s32 $0x4;
	[sflag:s12] =	ssyncadd.s32 $0xFFFFC000  }
0x18: {  	[hbm4b:s14+s4] =	stream.strided.scatter [tilespmem:s7], [sflag:$0x4], $0x4000, s5, s4, $0x38;
	[tilespmem:$0x8000] =	vst v63  }
0x19: {  	_ =	swait.ge [sflag:s13], $0x4000  }
0x1a: {  	[sflag:s13] =	ssyncset.done $0x0  }
0x1b: {  	s15 =	sadd.s32 $0x70A00, s15;
	[sflag:s13] =	ssyncadd.s32 $0xFFFFC000  }
0x1c: {  	[tilespmem:s7], [sflag:$0x2] =	stream.strided.gather [hbm4b:s15+s4], $0x4000, s5, s4, $0x38;
	[tilespmem:$0x8000] =	vst v63  }
0x1d: {  	_ =	swait.ge [sflag:s8], $0x4000  }
0x1e: {  	s18 =	ssub.s32 $0x2, s18;
	[sflag:s8] =	ssyncset.done $0x0  }
0x1f: {  	s31 =	sshrl.u32 s18, $0x1;
	s16 =	sadd.s32 s16, s19;
	[sflag:s8] =	ssyncadd.s32 $0xFFFFC000  }
0x20: {  	[hbm4b:s16+s4] =	stream.strided.scatter [tilespmem:s2], [sflag:$0x3], $0x4000, s5, s4, $0x38;
	[tilespmem:$0x8000] =	vst v63  }
0x21: {  	s18 =	ssub.s32 s18, s31;
	_ =	swait.ge [sflag:s12], $0x4000  }
0x22: {  	s18 =	smax.u32 s18, $0x1;
	[sflag:s12] =	ssyncset.done $0x0  }
0x23: {  	s17 =	sadd.s32 s17, s19;
	p0 =	sne.s32 s18, $0x1;
	[sflag:s12] =	ssyncadd.s32 $0xFFFFC000  }
0x24: {  	[hbm4b:s17+s4] =	stream.strided.scatter [tilespmem:s7], [sflag:$0x4], $0x4000, s5, s4, $0x38;
	[tilespmem:$0x8000] =	vst v63  }
.Ltmp0:
0x25: {  	_ =	swait.ge [sflag:s10], $0x4000;
	(pc) =	sbr.rel @!p0 .LBB2_2-.Ltmp0, $4  }
0x26: {  	[sflag:s10] =	ssyncset.done $0x0  }
0x27: {  	[sflag:s10] =	ssyncadd.s32 $0xFFFFC000  }
0x28: {  	_ =	swait.ge [sflag:s13], $0x4000  }
0x29: {  	s18 =	sadd.s32 $0xFFFFFFFF, s18;
	[sflag:s13] =	ssyncset.done $0x0  }
.LBB2_1:
0x2a: {  	p0 =	sne.s32 s18, $0x1;
	s18 =	sadd.s32 $0xFFFFFFFF, s18;
	[sflag:s13] =	ssyncadd.s32 $0xFFFFC000  }
0x2b: {  	[tilespmem:s2], [sflag:$0x1] =	stream.strided.gather [hbm4b:s3+s4], $0x4000, s5, s4, $0x38;
	[tilespmem:$0x8000] =	vst v63  }
0x2c: {  	_ = 	snop  }
0x2d: {  	[tilespmem:s7], [sflag:$0x2] =	stream.strided.gather [hbm4b:s6+s4], $0x4000, s5, s4, $0x38;
	[tilespmem:$0x8000] =	vst v63  }
0x2e: {  	_ =	swait.ge [sflag:s8], $0x4000  }
0x2f: {  	[sflag:s8] =	ssyncset.done $0x0  }
0x30: {  	[sflag:s8] =	ssyncadd.s32 $0xFFFFC000  }
0x31: {  	[hbm4b:s9+s4] =	stream.strided.scatter [tilespmem:s2], [sflag:$0x3], $0x4000, s5, s4, $0x38;
	[tilespmem:$0x8000] =	vst v63  }
0x32: {  	_ =	swait.ge [sflag:s10], $0x4000  }
0x33: {  	[sflag:s10] =	ssyncset.done $0x0  }
0x34: {  	[sflag:s10] =	ssyncadd.s32 $0xFFFFC000  }
0x35: {  	[tilespmem:s2], [sflag:$0x1] =	stream.strided.gather [hbm4b:s11+s4], $0x4000, s5, s4, $0x38;
	[tilespmem:$0x8000] =	vst v63  }
0x36: {  	_ =	swait.ge [sflag:s12], $0x4000  }
0x37: {  	[sflag:s12] =	ssyncset.done $0x0  }
0x38: {  	[sflag:s12] =	ssyncadd.s32 $0xFFFFC000  }
0x39: {  	[hbm4b:s14+s4] =	stream.strided.scatter [tilespmem:s7], [sflag:$0x4], $0x4000, s5, s4, $0x38;
	[tilespmem:$0x8000] =	vst v63  }
0x3a: {  	_ =	swait.ge [sflag:s13], $0x4000  }
0x3b: {  	[sflag:s13] =	ssyncset.done $0x0  }
0x3c: {  	[sflag:s13] =	ssyncadd.s32 $0xFFFFC000  }
0x3d: {  	[tilespmem:s7], [sflag:$0x2] =	stream.strided.gather [hbm4b:s15+s4], $0x4000, s5, s4, $0x38;
	[tilespmem:$0x8000] =	vst v63  }
0x3e: {  	_ =	swait.ge [sflag:s8], $0x4000  }
0x3f: {  	[sflag:s8] =	ssyncset.done $0x0  }
0x40: {  	[sflag:s8] =	ssyncadd.s32 $0xFFFFC000  }
0x41: {  	[hbm4b:s16+s4] =	stream.strided.scatter [tilespmem:s2], [sflag:$0x3], $0x4000, s5, s4, $0x38;
	[tilespmem:$0x8000] =	vst v63  }
0x42: {  	_ =	swait.ge [sflag:s12], $0x4000  }
0x43: {  	[sflag:s12] =	ssyncset.done $0x0  }
0x44: {  	[sflag:s12] =	ssyncadd.s32 $0xFFFFC000  }
0x45: {  	[hbm4b:s17+s4] =	stream.strided.scatter [tilespmem:s7], [sflag:$0x4], $0x4000, s5, s4, $0x38;
	[tilespmem:$0x8000] =	vst v63  }
.Ltmp1:
0x46: {  	_ =	swait.ge [sflag:s10], $0x4000;
	(pc) =	sbr.rel @p0 .LBB2_1-.Ltmp1, $4  }
0x47: {  	[sflag:s10] =	ssyncset.done $0x0  }
0x48: {  	[sflag:s10] =	ssyncadd.s32 $0xFFFFC000  }
0x49: {  	_ =	swait.ge [sflag:s13], $0x4000  }
0x4a: {  	[sflag:s13] =	ssyncset.done $0x0  }
.LBB2_2:
0x4b: {  	[sflag:s13] =	ssyncadd.s32 $0xFFFFC000  }
0x4c: {  	_ =	sfence.sel $0x180000  }
0x4d: {  	[bflag:$0x0] =	sbarrier.arrive $0xFFFF  }
0x4e: {  	p0 =	sne.s32 s1, $0x0;
	_ =	strace $0x90000047  }
0x4f: {  	s0 =	sadd.s32 @!p0 $0x100000, s0;
	[bflag:$0x2] =	sbarrier.arrive $0xFFFF  }
0x50: {  	[sflag:s0] =	ssyncadd.tile.s32 @!p0 $0x1;
	_ =	shalt  }
.Lfunc_end2:
_tile_overlayer_lowered:
.L_overlay_start_2:
0x51: {  	(tag) =	ssettag $0x2  }
0x52: {  	s0 =	rddreg [dreg:$0x0];
	s2 =	stileid.u32  }
0x53: {  	s1 =	rddreg [dreg:$0x1];
	p0 =	sne.s32 s2, $0x0  }
0x54: {  	s3 =	rddreg [dreg:$0x2];
	[bflag:$0x3] =	sbarrier.arrive $0xFFFF;
	s2 =	simm.s32 @!p0 $0x1C05  }
0x55: {  	[timem:s3], [sflag:s2] =	dma.local @!p0 [hbm:s0], s1  }
0x56: {  	s0 =	simm.s32 @!p0 $0x5  }
0x57: {  	_ =	swait.ge @!p0 [sflag:s0], s1  }
0x58: {  	s1 =	ssub.s32 @!p0 $0x0, s1;
	[sflag:s0] =	ssyncset.done @!p0 $0x0  }
0x59: {  	[sflag:s0] =	ssyncadd.s32 @!p0 s1  }
0x5a: {  	[bflag:$0x3] =	sbarrier.arrive $0xFFFF  }
0x5b: {  	_ =	shalt  }

</sc_bundles>
